<compile_context>
chip_gen: v7x
topology: tpu7x:2x2x1
jax: 0.10.2.dev20260603
libtpu: 0.0.44.dev20260713+nightly
codegen_flags: <defaults>
</compile_context>

<pallas_src>
import functools

import numpy as np

import jax
import jax.numpy as jnp
from jax import lax
from jax.experimental import pallas as pl
from jax.experimental.pallas import tpu as pltpu
from jax.experimental.pallas import tpu_sc as plsc

N = 10000
E = 320000
EMB = 8
RF = 32
CUTOFF = 5.0

NW = 32
SC_STRIDE = 9984
SC_CHUNK = 10496
BE = 16000
NB = E // BE



@functools.cache
def _sc_hz_kernel():
    mesh = plsc.VectorSubcoreMesh(core_axis_name="c", subcore_axis_name="s")

    @functools.partial(
        pl.kernel,
        out_type=jax.ShapeDtypeStruct((EMB, E), jnp.float32),
        mesh=mesh,
        compiler_params=pltpu.CompilerParams(needs_layout_passes=False),
        scratch_types=[
            pltpu.VMEM((N,), jnp.int32),
            pltpu.VMEM((120 * EMB,), jnp.float32),
            pltpu.VMEM((120 * EMB,), jnp.float32),
            pltpu.VMEM((SC_CHUNK,), jnp.int32),
            pltpu.VMEM((SC_CHUNK,), jnp.int32),
            pltpu.VMEM((EMB, SC_CHUNK), jnp.float32),
        ],
    )
    def _sc_hz(z_hbm, ii_hbm, jj_hbm, ut_hbm, wt_hbm, hz_hbm,
               z_v, ut_v, wt_v, ii_v, jj_v, out_v):
        wid = lax.axis_index("c") * 16 + lax.axis_index("s")
        base = wid * SC_STRIDE
        pltpu.sync_copy(z_hbm, z_v)
        pltpu.sync_copy(ut_hbm, ut_v)
        pltpu.sync_copy(wt_hbm, wt_v)
        pltpu.sync_copy(ii_hbm.at[pl.ds(base, SC_CHUNK)], ii_v)
        pltpu.sync_copy(jj_hbm.at[pl.ds(base, SC_CHUNK)], jj_v)

        def body(s, carry):
            off = s * 16
            ii = ii_v[pl.ds(off, 16)]
            jj = jj_v[pl.ds(off, 16)]
            zi = plsc.load_gather(z_v, [ii]) * EMB
            zj = plsc.load_gather(z_v, [jj]) * EMB
            for c in range(EMB):
                val = plsc.load_gather(ut_v, [zi + c]) \
                    + plsc.load_gather(wt_v, [zj + c])
                out_v[c, pl.ds(off, 16)] = val
            return carry

        lax.fori_loop(0, SC_CHUNK // 16, body, 0)
        pltpu.sync_copy(out_v, hz_hbm.at[:, pl.ds(base, SC_CHUNK)])

    return _sc_hz



def _tc_body(r_ref, v_ref, hz_ref, w_ref, b_ref, mus_ref, betas_ref,
             oi_ref, oa_ref, os_ref):
    r = r_ref[...]
    mus = mus_ref[...]
    betas = betas_ref[...]
    d = jnp.exp(-r) - mus
    expansion = jnp.exp(-betas * d * d)
    radial = jnp.dot(w_ref[...], expansion,
                     preferred_element_type=jnp.float32) + b_ref[...]
    env = jnp.where(r < CUTOFF,
                    0.5 * (jnp.cos(r * (np.pi / CUTOFF)) + 1.0), 0.0)
    ehz = env * hz_ref[...]
    c0 = radial[0:8] * ehz
    c1 = radial[8:16] * ehz
    c2 = radial[16:24] * ehz
    v = v_ref[...] / r
    v0, v1, v2 = v[0:1], v[1:2], v[2:3]
    n2_3 = (v0 * v0 + v1 * v1 + v2 * v2) * (1.0 / 3.0)
    zeros = jnp.zeros_like(c0)
    a9 = (None, -v2, v1, v2, None, -v0, -v1, v0, None)
    for g in range(9):
        diag = g % 4 == 0
        oi_ref[8 * g:8 * g + 8, :] = c0 if diag else zeros
        oa_ref[8 * g:8 * g + 8, :] = zeros if a9[g] is None else a9[g] * c1
        s9 = v[g // 3:g // 3 + 1] * v[g % 3:g % 3 + 1]
        os_ref[8 * g:8 * g + 8, :] = (s9 - n2_3 if diag else s9) * c2


def _tc_call(r2, vt, hz, w, b, mus, betas):
    whole = lambda shp: pl.BlockSpec(shp, lambda i: (0, 0))
    blk = lambda h: pl.BlockSpec((h, BE), lambda i: (0, i))
    return pl.pallas_call(
        _tc_body,
        grid=(NB,),
        in_specs=[
            blk(1), blk(3), blk(EMB),
            whole((24, RF)), whole((24, 1)), whole((RF, 1)), whole((RF, 1)),
        ],
        out_specs=[pl.BlockSpec((72, BE), lambda i: (0, i))] * 3,
        out_shape=[jax.ShapeDtypeStruct((72, E), jnp.float32)] * 3,
    )(r2, vt, hz, w, b, mus, betas)


def kernel(Z, neighbour_index, neighbour_vectors, neighbour_distances,
           z_table, z_map_W, r_map_W, r_map_b, mus, betas):
    ut = z_table @ z_map_W[:, :EMB].T
    wt_tab = z_table @ z_map_W[:, EMB:].T
    ut_p = jnp.zeros((120, EMB), jnp.float32).at[:ut.shape[0]].set(ut).reshape(-1)
    wt_p = jnp.zeros((120, EMB), jnp.float32).at[:ut.shape[0]].set(wt_tab).reshape(-1)
    flat = neighbour_index.astype(jnp.int32).reshape(E, 2)
    hz = _sc_hz_kernel()(Z.astype(jnp.int32), flat[:, 0], flat[:, 1],
                         ut_p, wt_p)

    r2 = neighbour_distances.reshape(1, E)
    vt = neighbour_vectors.T
    b = r_map_b.reshape(24, 1)
    oi, oa, osym = _tc_call(r2, vt, hz, r_map_W, b,
                            mus.reshape(RF, 1), betas.reshape(RF, 1))

    def to_logical(o):
        return o.reshape(3, 3, EMB, E).transpose(3, 2, 0, 1)

    return (to_logical(oi), to_logical(oa), to_logical(osym))

# --- scband reference (transcript-rebuilt; emitter-appended) ---
"""Pipeline reference for scband-edge-embedding-67353677136593 (READ-ONLY COPY).

The authoritative reference and input builder live on the scoring server;
editing this copy changes nothing except your own understanding.
"""

import jax, jax.numpy as jnp
import numpy as np

N = 10000
E = 320000
EMB = 8
RF = 32
CUTOFF = 5.0
NSPECIES = 119


def setup_inputs(seed: int = 0) -> dict:
    key = jax.random.key(seed)
    ks = jax.random.split(key, 8)
    Z = jax.random.randint(ks[0], (N,), 0, 100)
    neighbour_index = jax.random.randint(ks[1], (2, E), 0, N)
    neighbour_vectors = jax.random.normal(ks[2], (E, 3), dtype=jnp.float32)
    # distances kept away from 0 to avoid blow-up in r_hat = v / r
    neighbour_distances = jax.random.uniform(ks[3], (E,), dtype=jnp.float32) * 4.5 + 0.5
    # learned params
    z_table = jax.random.normal(ks[4], (NSPECIES, EMB), dtype=jnp.float32) * 0.1
    z_map_W = jax.random.normal(ks[5], (EMB, 2 * EMB), dtype=jnp.float32) * (1.0 / np.sqrt(2 * EMB))
    r_map_W = jax.random.normal(ks[6], (3 * EMB, RF), dtype=jnp.float32) * (1.0 / np.sqrt(RF))
    r_map_b = jax.random.normal(ks[7], (3 * EMB,), dtype=jnp.float32) * 0.01
    # ExponentialRBF buffers (PhysNet-style)
    mus = jnp.linspace(np.exp(-CUTOFF), 1.0, RF).astype(jnp.float32)
    beta_val = float((2.0 / RF * (1.0 - np.exp(-CUTOFF))) ** -2)
    betas = jnp.full((RF,), beta_val, dtype=jnp.float32)
    return {
        'Z': Z,
        'neighbour_index': neighbour_index,
        'neighbour_vectors': neighbour_vectors,
        'neighbour_distances': neighbour_distances,
        'z_table': z_table,
        'z_map_W': z_map_W,
        'r_map_W': r_map_W,
        'r_map_b': r_map_b,
        'mus': mus,
        'betas': betas,
    }


def reference(Z, neighbour_index, neighbour_vectors, neighbour_distances,
              z_table, z_map_W, r_map_W, r_map_b, mus, betas):
    n_edges = neighbour_distances.shape[0]
    # initial edge embeddings
    r_hat = neighbour_vectors / neighbour_distances[:, None]
    eye = jnp.eye(3, dtype=jnp.float32)
    I_0 = jnp.broadcast_to(eye, (n_edges, 3, 3)).reshape(n_edges, 1, 3, 3)
    v = r_hat
    zero = jnp.zeros((n_edges,), dtype=v.dtype)
    A_0 = jnp.stack((zero, -v[:, 2], v[:, 1],
                     v[:, 2], zero, -v[:, 0],
                     -v[:, 1], v[:, 0], zero), axis=1).reshape(n_edges, 1, 3, 3)
    outer = jnp.matmul(v[:, :, None], v[:, None, :])
    Id = jnp.diagonal(outer, axis1=-2, axis2=-1).mean(-1)[..., None, None] * eye
    S_0 = (0.5 * (outer + jnp.swapaxes(outer, -2, -1)) - Id).reshape(n_edges, 1, 3, 3)
    # species pair embedding (faithful to original reshape semantics)
    h_z_atom = z_table[Z]                          # [N, EMB] gather
    h_z_edge = h_z_atom[neighbour_index]           # [2, E, EMB] gather
    h_z_edge = h_z_edge.reshape(-1, 2 * EMB)       # [E, 2*EMB]
    h_z_edge = h_z_edge @ z_map_W.T                # [E, EMB]
    # radial expansion + envelope
    r = neighbour_distances
    expansion_r = jnp.exp(-betas[None, :] * (jnp.exp(-r)[:, None] - mus[None, :]) ** 2)
    env = jnp.where(r < CUTOFF, 0.5 * (jnp.cos(jnp.pi * r / CUTOFF) + 1.0), 0.0)
    c = (expansion_r @ r_map_W.T + r_map_b) * env[..., None] * jnp.tile(h_z_edge, (1, 3))
    c_I, c_A, c_S = jnp.split(c[..., None, None], 3, axis=1)
    return (c_I * I_0, c_A * A_0, c_S * S_0)

if __name__ == "__main__":
    import jax
    _d = setup_inputs()
    print(jax.jit(kernel)(*tuple(_d.values())))

</pallas_src>

<mosaic_0001>
#map = affine_map<(d0, d1) -> (0)>
#map1 = affine_map<(d0, d1) -> (0, 0)>
module attributes {stable_mosaic.version = 14 : i64} {
  func.func @_sc_hz(%arg0: i32, %arg1: i32, %arg2: memref<10000xi32, #tpu.memory_space<hbm>>, %arg3: memref<320000xi32, #tpu.memory_space<hbm>>, %arg4: memref<320000xi32, #tpu.memory_space<hbm>>, %arg5: memref<960xf32, #tpu.memory_space<hbm>>, %arg6: memref<960xf32, #tpu.memory_space<hbm>>, %arg7: memref<8x320000xf32, #tpu.memory_space<hbm>>, %arg8: memref<10000xi32, #tpu.memory_space<vmem>>, %arg9: memref<960xf32, #tpu.memory_space<vmem>>, %arg10: memref<960xf32, #tpu.memory_space<vmem>>, %arg11: memref<10496xi32, #tpu.memory_space<vmem>>, %arg12: memref<10496xi32, #tpu.memory_space<vmem>>, %arg13: memref<8x10496xf32, #tpu.memory_space<vmem>>) attributes {dimension_semantics = [#tpu.dimension_semantics<core_parallel>, #tpu.dimension_semantics<subcore_parallel>], iteration_bounds = array<i64: 2, 16>, scalar_prefetch = 0 : i64, scratch_operands = 6 : i64, tpu.core_type = #tpu.core_type<sc_vector_subcore>, window_params = [{transform_indices = #map}, {transform_indices = #map}, {transform_indices = #map}, {transform_indices = #map}, {transform_indices = #map}, {transform_indices = #map1}]} {
    %mul3A = arith.constant 16 : i32
    %mul3A_0 = arith.muli %arg0, %mul3A : i32
    %add3A = arith.addi %mul3A_0, %arg1 : i32
    %mul3A_1 = arith.constant 9984 : i32
    %mul3A_2 = arith.muli %add3A, %mul3A_1 : i32
    "tpu.region"() ({
      %run_scoped3A = tpu.sem_alloc : memref<!tpu.dma_semaphore, #tpu.memory_space<semaphore_mem>>
      tpu.enqueue_dma source(%arg2 : memref<10000xi32, #tpu.memory_space<hbm>>) target(%arg8 : memref<10000xi32, #tpu.memory_space<vmem>>) target_semaphore(%run_scoped3A : memref<!tpu.dma_semaphore, #tpu.memory_space<semaphore_mem>>)
      tpu.wait_dma2 semaphore(%run_scoped3A : memref<!tpu.dma_semaphore, #tpu.memory_space<semaphore_mem>>) src(%arg2 : memref<10000xi32, #tpu.memory_space<hbm>>) dst(%arg8 : memref<10000xi32, #tpu.memory_space<vmem>>)
      tpu.yield
    }) : () -> ()
    "tpu.region"() ({
      %run_scoped3A = tpu.sem_alloc : memref<!tpu.dma_semaphore, #tpu.memory_space<semaphore_mem>>
      tpu.enqueue_dma source(%arg5 : memref<960xf32, #tpu.memory_space<hbm>>) target(%arg9 : memref<960xf32, #tpu.memory_space<vmem>>) target_semaphore(%run_scoped3A : memref<!tpu.dma_semaphore, #tpu.memory_space<semaphore_mem>>)
      tpu.wait_dma2 semaphore(%run_scoped3A : memref<!tpu.dma_semaphore, #tpu.memory_space<semaphore_mem>>) src(%arg5 : memref<960xf32, #tpu.memory_space<hbm>>) dst(%arg9 : memref<960xf32, #tpu.memory_space<vmem>>)
      tpu.yield
    }) : () -> ()
    "tpu.region"() ({
      %run_scoped3A = tpu.sem_alloc : memref<!tpu.dma_semaphore, #tpu.memory_space<semaphore_mem>>
      tpu.enqueue_dma source(%arg6 : memref<960xf32, #tpu.memory_space<hbm>>) target(%arg10 : memref<960xf32, #tpu.memory_space<vmem>>) target_semaphore(%run_scoped3A : memref<!tpu.dma_semaphore, #tpu.memory_space<semaphore_mem>>)
      tpu.wait_dma2 semaphore(%run_scoped3A : memref<!tpu.dma_semaphore, #tpu.memory_space<semaphore_mem>>) src(%arg6 : memref<960xf32, #tpu.memory_space<hbm>>) dst(%arg10 : memref<960xf32, #tpu.memory_space<vmem>>)
      tpu.yield
    }) : () -> ()
    "tpu.region"() ({
      %run_scoped3A = tpu.sem_alloc : memref<!tpu.dma_semaphore, #tpu.memory_space<semaphore_mem>>
      %dma_start3A = tpu.memref_slice %arg3[%mul3A_2] : memref<320000xi32, #tpu.memory_space<hbm>> -> memref<10496xi32, #tpu.memory_space<hbm>>
      %dma_start3A_8 = tpu.memref_slice %arg3[%mul3A_2] : memref<320000xi32, #tpu.memory_space<hbm>> -> memref<10496xi32, #tpu.memory_space<hbm>>
      tpu.enqueue_dma source(%dma_start3A_8 : memref<10496xi32, #tpu.memory_space<hbm>>) target(%arg11 : memref<10496xi32, #tpu.memory_space<vmem>>) target_semaphore(%run_scoped3A : memref<!tpu.dma_semaphore, #tpu.memory_space<semaphore_mem>>)
      %dma_wait3A = tpu.memref_slice %arg3[%mul3A_2] : memref<320000xi32, #tpu.memory_space<hbm>> -> memref<10496xi32, #tpu.memory_space<hbm>>
      %dma_wait3A_9 = tpu.memref_slice %arg3[%mul3A_2] : memref<320000xi32, #tpu.memory_space<hbm>> -> memref<10496xi32, #tpu.memory_space<hbm>>
      tpu.wait_dma2 semaphore(%run_scoped3A : memref<!tpu.dma_semaphore, #tpu.memory_space<semaphore_mem>>) src(%dma_wait3A_9 : memref<10496xi32, #tpu.memory_space<hbm>>) dst(%arg11 : memref<10496xi32, #tpu.memory_space<vmem>>)
      tpu.yield
    }) : () -> ()
    "tpu.region"() ({
      %run_scoped3A = tpu.sem_alloc : memref<!tpu.dma_semaphore, #tpu.memory_space<semaphore_mem>>
      %dma_start3A = tpu.memref_slice %arg4[%mul3A_2] : memref<320000xi32, #tpu.memory_space<hbm>> -> memref<10496xi32, #tpu.memory_space<hbm>>
      %dma_start3A_8 = tpu.memref_slice %arg4[%mul3A_2] : memref<320000xi32, #tpu.memory_space<hbm>> -> memref<10496xi32, #tpu.memory_space<hbm>>
      tpu.enqueue_dma source(%dma_start3A_8 : memref<10496xi32, #tpu.memory_space<hbm>>) target(%arg12 : memref<10496xi32, #tpu.memory_space<vmem>>) target_semaphore(%run_scoped3A : memref<!tpu.dma_semaphore, #tpu.memory_space<semaphore_mem>>)
      %dma_wait3A = tpu.memref_slice %arg4[%mul3A_2] : memref<320000xi32, #tpu.memory_space<hbm>> -> memref<10496xi32, #tpu.memory_space<hbm>>
      %dma_wait3A_9 = tpu.memref_slice %arg4[%mul3A_2] : memref<320000xi32, #tpu.memory_space<hbm>> -> memref<10496xi32, #tpu.memory_space<hbm>>
      tpu.wait_dma2 semaphore(%run_scoped3A : memref<!tpu.dma_semaphore, #tpu.memory_space<semaphore_mem>>) src(%dma_wait3A_9 : memref<10496xi32, #tpu.memory_space<hbm>>) dst(%arg12 : memref<10496xi32, #tpu.memory_space<vmem>>)
      tpu.yield
    }) : () -> ()
    %scan3A = arith.constant 0 : i32
    %scan3A_3 = arith.constant 0 : i32
    %scan3A_4 = arith.constant 656 : i32
    %scan3A_5 = arith.addi %scan3A_3, %scan3A_4 : i32
    %scan3A_6 = arith.constant 1 : i32
    scf.for %scan3A_8 = %scan3A_3 to %scan3A_5 step %scan3A_6  : i32 {
      %mul3A_9 = arith.constant 16 : i32
      %mul3A_10 = arith.muli %scan3A_8, %mul3A_9 : i32
      %get3A = arith.index_cast %mul3A_10 : i32 to index
      %get3A_11 = tpu.vector_load %arg11[%get3A] {strides = array<i32>} : memref<10496xi32, #tpu.memory_space<vmem>>, vector<16xi32>,
      %get3A_12 = arith.index_cast %mul3A_10 : i32 to index
      %get3A_13 = tpu.vector_load %arg12[%get3A_12] {strides = array<i32>} : memref<10496xi32, #tpu.memory_space<vmem>>, vector<16xi32>,
      %gather3A = tpu.vector_load_idx %arg8[%get3A_11] : memref<10000xi32, #tpu.memory_space<vmem>>[vector<16xi32>], vector<16xi32>,
      %mul3A_14 = arith.constant 8 : i32
      %mul3A_15 = vector.broadcast %mul3A_14 : i32 to vector<16xi32>
      %mul3A_16 = arith.muli %gather3A, %mul3A_15 : vector<16xi32>
      %gather3A_17 = tpu.vector_load_idx %arg8[%get3A_13] : memref<10000xi32, #tpu.memory_space<vmem>>[vector<16xi32>], vector<16xi32>,
      %mul3A_18 = arith.constant 8 : i32
      %mul3A_19 = vector.broadcast %mul3A_18 : i32 to vector<16xi32>
      %mul3A_20 = arith.muli %gather3A_17, %mul3A_19 : vector<16xi32>
      %add3A_21 = arith.constant 0 : i32
      %add3A_22 = vector.broadcast %add3A_21 : i32 to vector<16xi32>
      %add3A_23 = arith.addi %mul3A_16, %add3A_22 : vector<16xi32>
      %gather3A_24 = tpu.vector_load_idx %arg9[%add3A_23] : memref<960xf32, #tpu.memory_space<vmem>>[vector<16xi32>], vector<16xf32>,
      %add3A_25 = arith.constant 0 : i32
      %add3A_26 = vector.broadcast %add3A_25 : i32 to vector<16xi32>
      %add3A_27 = arith.addi %mul3A_20, %add3A_26 : vector<16xi32>
      %gather3A_28 = tpu.vector_load_idx %arg10[%add3A_27] : memref<960xf32, #tpu.memory_space<vmem>>[vector<16xi32>], vector<16xf32>,
      %add3A_29 = arith.addf %gather3A_24, %gather3A_28 : vector<16xf32>
      %swap3A = arith.constant 0 : i32
      %swap3A_30 = arith.index_cast %swap3A : i32 to index
      %swap3A_31 = arith.index_cast %mul3A_10 : i32 to index
      %swap3A_32 = tpu.vector_load %arg13[%swap3A_30, %swap3A_31] {strides = array<i32>} : memref<8x10496xf32, #tpu.memory_space<vmem>>, vector<16xf32>,
      tpu.vector_store %arg13[%swap3A_30, %swap3A_31], %add3A_29 {strides = array<i32>} : memref<8x10496xf32, #tpu.memory_space<vmem>>, vector<16xf32>,
      %add3A_33 = arith.constant 1 : i32
      %add3A_34 = vector.broadcast %add3A_33 : i32 to vector<16xi32>
      %add3A_35 = arith.addi %mul3A_16, %add3A_34 : vector<16xi32>
      %gather3A_36 = tpu.vector_load_idx %arg9[%add3A_35] : memref<960xf32, #tpu.memory_space<vmem>>[vector<16xi32>], vector<16xf32>,
      %add3A_37 = arith.constant 1 : i32
      %add3A_38 = vector.broadcast %add3A_37 : i32 to vector<16xi32>
      %add3A_39 = arith.addi %mul3A_20, %add3A_38 : vector<16xi32>
      %gather3A_40 = tpu.vector_load_idx %arg10[%add3A_39] : memref<960xf32, #tpu.memory_space<vmem>>[vector<16xi32>], vector<16xf32>,
      %add3A_41 = arith.addf %gather3A_36, %gather3A_40 : vector<16xf32>
      %swap3A_42 = arith.constant 1 : i32
      %swap3A_43 = arith.index_cast %swap3A_42 : i32 to index
      %swap3A_44 = arith.index_cast %mul3A_10 : i32 to index
      %swap3A_45 = tpu.vector_load %arg13[%swap3A_43, %swap3A_44] {strides = array<i32>} : memref<8x10496xf32, #tpu.memory_space<vmem>>, vector<16xf32>,
      tpu.vector_store %arg13[%swap3A_43, %swap3A_44], %add3A_41 {strides = array<i32>} : memref<8x10496xf32, #tpu.memory_space<vmem>>, vector<16xf32>,
      %add3A_46 = arith.constant 2 : i32
      %add3A_47 = vector.broadcast %add3A_46 : i32 to vector<16xi32>
      %add3A_48 = arith.addi %mul3A_16, %add3A_47 : vector<16xi32>
      %gather3A_49 = tpu.vector_load_idx %arg9[%add3A_48] : memref<960xf32, #tpu.memory_space<vmem>>[vector<16xi32>], vector<16xf32>,
      %add3A_50 = arith.constant 2 : i32
      %add3A_51 = vector.broadcast %add3A_50 : i32 to vector<16xi32>
      %add3A_52 = arith.addi %mul3A_20, %add3A_51 : vector<16xi32>
      %gather3A_53 = tpu.vector_load_idx %arg10[%add3A_52] : memref<960xf32, #tpu.memory_space<vmem>>[vector<16xi32>], vector<16xf32>,
      %add3A_54 = arith.addf %gather3A_49, %gather3A_53 : vector<16xf32>
      %swap3A_55 = arith.constant 2 : i32
      %swap3A_56 = arith.index_cast %swap3A_55 : i32 to index
      %swap3A_57 = arith.index_cast %mul3A_10 : i32 to index
      %swap3A_58 = tpu.vector_load %arg13[%swap3A_56, %swap3A_57] {strides = array<i32>} : memref<8x10496xf32, #tpu.memory_space<vmem>>, vector<16xf32>,
      tpu.vector_store %arg13[%swap3A_56, %swap3A_57], %add3A_54 {strides = array<i32>} : memref<8x10496xf32, #tpu.memory_space<vmem>>, vector<16xf32>,
      %add3A_59 = arith.constant 3 : i32
      %add3A_60 = vector.broadcast %add3A_59 : i32 to vector<16xi32>
      %add3A_61 = arith.addi %mul3A_16, %add3A_60 : vector<16xi32>
      %gather3A_62 = tpu.vector_load_idx %arg9[%add3A_61] : memref<960xf32, #tpu.memory_space<vmem>>[vector<16xi32>], vector<16xf32>,
      %add3A_63 = arith.constant 3 : i32
      %add3A_64 = vector.broadcast %add3A_63 : i32 to vector<16xi32>
      %add3A_65 = arith.addi %mul3A_20, %add3A_64 : vector<16xi32>
      %gather3A_66 = tpu.vector_load_idx %arg10[%add3A_65] : memref<960xf32, #tpu.memory_space<vmem>>[vector<16xi32>], vector<16xf32>,
      %add3A_67 = arith.addf %gather3A_62, %gather3A_66 : vector<16xf32>
      %swap3A_68 = arith.constant 3 : i32
      %swap3A_69 = arith.index_cast %swap3A_68 : i32 to index
      %swap3A_70 = arith.index_cast %mul3A_10 : i32 to index
      %swap3A_71 = tpu.vector_load %arg13[%swap3A_69, %swap3A_70] {strides = array<i32>} : memref<8x10496xf32, #tpu.memory_space<vmem>>, vector<16xf32>,
      tpu.vector_store %arg13[%swap3A_69, %swap3A_70], %add3A_67 {strides = array<i32>} : memref<8x10496xf32, #tpu.memory_space<vmem>>, vector<16xf32>,
      %add3A_72 = arith.constant 4 : i32
      %add3A_73 = vector.broadcast %add3A_72 : i32 to vector<16xi32>
      %add3A_74 = arith.addi %mul3A_16, %add3A_73 : vector<16xi32>
      %gather3A_75 = tpu.vector_load_idx %arg9[%add3A_74] : memref<960xf32, #tpu.memory_space<vmem>>[vector<16xi32>], vector<16xf32>,
      %add3A_76 = arith.constant 4 : i32
      %add3A_77 = vector.broadcast %add3A_76 : i32 to vector<16xi32>
      %add3A_78 = arith.addi %mul3A_20, %add3A_77 : vector<16xi32>
      %gather3A_79 = tpu.vector_load_idx %arg10[%add3A_78] : memref<960xf32, #tpu.memory_space<vmem>>[vector<16xi32>], vector<16xf32>,
      %add3A_80 = arith.addf %gather3A_75, %gather3A_79 : vector<16xf32>
      %swap3A_81 = arith.constant 4 : i32
      %swap3A_82 = arith.index_cast %swap3A_81 : i32 to index
      %swap3A_83 = arith.index_cast %mul3A_10 : i32 to index
      %swap3A_84 = tpu.vector_load %arg13[%swap3A_82, %swap3A_83] {strides = array<i32>} : memref<8x10496xf32, #tpu.memory_space<vmem>>, vector<16xf32>,
      tpu.vector_store %arg13[%swap3A_82, %swap3A_83], %add3A_80 {strides = array<i32>} : memref<8x10496xf32, #tpu.memory_space<vmem>>, vector<16xf32>,
      %add3A_85 = arith.constant 5 : i32
      %add3A_86 = vector.broadcast %add3A_85 : i32 to vector<16xi32>
      %add3A_87 = arith.addi %mul3A_16, %add3A_86 : vector<16xi32>
      %gather3A_88 = tpu.vector_load_idx %arg9[%add3A_87] : memref<960xf32, #tpu.memory_space<vmem>>[vector<16xi32>], vector<16xf32>,
      %add3A_89 = arith.constant 5 : i32
      %add3A_90 = vector.broadcast %add3A_89 : i32 to vector<16xi32>
      %add3A_91 = arith.addi %mul3A_20, %add3A_90 : vector<16xi32>
      %gather3A_92 = tpu.vector_load_idx %arg10[%add3A_91] : memref<960xf32, #tpu.memory_space<vmem>>[vector<16xi32>], vector<16xf32>,
      %add3A_93 = arith.addf %gather3A_88, %gather3A_92 : vector<16xf32>
      %swap3A_94 = arith.constant 5 : i32
      %swap3A_95 = arith.index_cast %swap3A_94 : i32 to index
      %swap3A_96 = arith.index_cast %mul3A_10 : i32 to index
      %swap3A_97 = tpu.vector_load %arg13[%swap3A_95, %swap3A_96] {strides = array<i32>} : memref<8x10496xf32, #tpu.memory_space<vmem>>, vector<16xf32>,
      tpu.vector_store %arg13[%swap3A_95, %swap3A_96], %add3A_93 {strides = array<i32>} : memref<8x10496xf32, #tpu.memory_space<vmem>>, vector<16xf32>,
      %add3A_98 = arith.constant 6 : i32
      %add3A_99 = vector.broadcast %add3A_98 : i32 to vector<16xi32>
      %add3A_100 = arith.addi %mul3A_16, %add3A_99 : vector<16xi32>
      %gather3A_101 = tpu.vector_load_idx %arg9[%add3A_100] : memref<960xf32, #tpu.memory_space<vmem>>[vector<16xi32>], vector<16xf32>,
      %add3A_102 = arith.constant 6 : i32
      %add3A_103 = vector.broadcast %add3A_102 : i32 to vector<16xi32>
      %add3A_104 = arith.addi %mul3A_20, %add3A_103 : vector<16xi32>
      %gather3A_105 = tpu.vector_load_idx %arg10[%add3A_104] : memref<960xf32, #tpu.memory_space<vmem>>[vector<16xi32>], vector<16xf32>,
      %add3A_106 = arith.addf %gather3A_101, %gather3A_105 : vector<16xf32>
      %swap3A_107 = arith.constant 6 : i32
      %swap3A_108 = arith.index_cast %swap3A_107 : i32 to index
      %swap3A_109 = arith.index_cast %mul3A_10 : i32 to index
      %swap3A_110 = tpu.vector_load %arg13[%swap3A_108, %swap3A_109] {strides = array<i32>} : memref<8x10496xf32, #tpu.memory_space<vmem>>, vector<16xf32>,
      tpu.vector_store %arg13[%swap3A_108, %swap3A_109], %add3A_106 {strides = array<i32>} : memref<8x10496xf32, #tpu.memory_space<vmem>>, vector<16xf32>,
      %add3A_111 = arith.constant 7 : i32
      %add3A_112 = vector.broadcast %add3A_111 : i32 to vector<16xi32>
      %add3A_113 = arith.addi %mul3A_16, %add3A_112 : vector<16xi32>
      %gather3A_114 = tpu.vector_load_idx %arg9[%add3A_113] : memref<960xf32, #tpu.memory_space<vmem>>[vector<16xi32>], vector<16xf32>,
      %add3A_115 = arith.constant 7 : i32
      %add3A_116 = vector.broadcast %add3A_115 : i32 to vector<16xi32>
      %add3A_117 = arith.addi %mul3A_20, %add3A_116 : vector<16xi32>
      %gather3A_118 = tpu.vector_load_idx %arg10[%add3A_117] : memref<960xf32, #tpu.memory_space<vmem>>[vector<16xi32>], vector<16xf32>,
      %add3A_119 = arith.addf %gather3A_114, %gather3A_118 : vector<16xf32>
      %swap3A_120 = arith.constant 7 : i32
      %swap3A_121 = arith.index_cast %swap3A_120 : i32 to index
      %swap3A_122 = arith.index_cast %mul3A_10 : i32 to index
      %swap3A_123 = tpu.vector_load %arg13[%swap3A_121, %swap3A_122] {strides = array<i32>} : memref<8x10496xf32, #tpu.memory_space<vmem>>, vector<16xf32>,
      tpu.vector_store %arg13[%swap3A_121, %swap3A_122], %add3A_119 {strides = array<i32>} : memref<8x10496xf32, #tpu.memory_space<vmem>>, vector<16xf32>,
    }
    %scan3A_7 = arith.constant 656 : i32
    "tpu.region"() ({
      %run_scoped3A = tpu.sem_alloc : memref<!tpu.dma_semaphore, #tpu.memory_space<semaphore_mem>>
      %dma_start3A = arith.constant 0 : i32
      %dma_start3A_8 = tpu.memref_slice %arg7[%dma_start3A, %mul3A_2] : memref<8x320000xf32, #tpu.memory_space<hbm>> -> memref<8x10496xf32, #tpu.memory_space<hbm>>
      %dma_start3A_9 = arith.constant 0 : i32
      %dma_start3A_10 = tpu.memref_slice %arg7[%dma_start3A_9, %mul3A_2] : memref<8x320000xf32, #tpu.memory_space<hbm>> -> memref<8x10496xf32, #tpu.memory_space<hbm>>
      tpu.enqueue_dma source(%arg13 : memref<8x10496xf32, #tpu.memory_space<vmem>>) target(%dma_start3A_10 : memref<8x10496xf32, #tpu.memory_space<hbm>>) target_semaphore(%run_scoped3A : memref<!tpu.dma_semaphore, #tpu.memory_space<semaphore_mem>>)
      %dma_wait3A = arith.constant 0 : i32
      %dma_wait3A_11 = tpu.memref_slice %arg7[%dma_wait3A, %mul3A_2] : memref<8x320000xf32, #tpu.memory_space<hbm>> -> memref<8x10496xf32, #tpu.memory_space<hbm>>
      %dma_wait3A_12 = arith.constant 0 : i32
      %dma_wait3A_13 = tpu.memref_slice %arg7[%dma_wait3A_12, %mul3A_2] : memref<8x320000xf32, #tpu.memory_space<hbm>> -> memref<8x10496xf32, #tpu.memory_space<hbm>>
      tpu.wait_dma2 semaphore(%run_scoped3A : memref<!tpu.dma_semaphore, #tpu.memory_space<semaphore_mem>>) src(%arg13 : memref<8x10496xf32, #tpu.memory_space<vmem>>) dst(%dma_wait3A_13 : memref<8x10496xf32, #tpu.memory_space<hbm>>)
      tpu.yield
    }) : () -> ()
    return
  }
}

module attributes {stable_mosaic.version = 14 : i64} {
  func.func @_tc_body(%arg0: i32, %arg1: memref<1x16000xf32, #tpu.memory_space<vmem>>, %arg2: memref<3x16000xf32, #tpu.memory_space<vmem>>, %arg3: memref<8x16000xf32, #tpu.memory_space<vmem>>, %arg4: memref<24x32xf32, #tpu.memory_space<vmem>>, %arg5: memref<24x1xf32, #tpu.memory_space<vmem>>, %arg6: memref<32x1xf32, #tpu.memory_space<vmem>>, %arg7: memref<32x1xf32, #tpu.memory_space<vmem>>, %arg8: memref<72x16000xf32, #tpu.memory_space<vmem>>, %arg9: memref<72x16000xf32, #tpu.memory_space<vmem>>, %arg10: memref<72x16000xf32, #tpu.memory_space<vmem>>) attributes {dimension_semantics = [#tpu.dimension_semantics<arbitrary>], iteration_bounds = array<i64: 20>, scalar_prefetch = 0 : i64, scratch_operands = 0 : i64, tpu.core_type = #tpu.core_type<tc>, window_params = [{transform_indices = @transform_0, window_bounds = array<i64: 1, 16000>}, {transform_indices = @transform_1, window_bounds = array<i64: 3, 16000>}, {transform_indices = @transform_2, window_bounds = array<i64: 8, 16000>}, {pipeline_mode = #tpu.pipeline_mode<synchronous>, transform_indices = @transform_3, window_bounds = array<i64: 24, 32>}, {pipeline_mode = #tpu.pipeline_mode<synchronous>, transform_indices = @transform_4, window_bounds = array<i64: 24, 1>}, {pipeline_mode = #tpu.pipeline_mode<synchronous>, transform_indices = @transform_5, window_bounds = array<i64: 32, 1>}, {pipeline_mode = #tpu.pipeline_mode<synchronous>, transform_indices = @transform_6, window_bounds = array<i64: 32, 1>}, {transform_indices = @transform_7, window_bounds = array<i64: 72, 16000>}, {transform_indices = @transform_8, window_bounds = array<i64: 72, 16000>}, {transform_indices = @transform_9, window_bounds = array<i64: 72, 16000>}]} {
    %get3A = arith.constant 0 : index
    %get3A_0 = arith.constant 0 : index
    %get3A_1 = vector.load %arg1[%get3A, %get3A_0] : memref<1x16000xf32, #tpu.memory_space<vmem>>, vector<1x16000xf32>
    %get3A_2 = arith.constant 0 : index
    %get3A_3 = arith.constant 0 : index
    %get3A_4 = vector.load %arg6[%get3A_2, %get3A_3] : memref<32x1xf32, #tpu.memory_space<vmem>>, vector<32x1xf32>
    %get3A_5 = arith.constant 0 : index
    %get3A_6 = arith.constant 0 : index
    %get3A_7 = vector.load %arg7[%get3A_5, %get3A_6] : memref<32x1xf32, #tpu.memory_space<vmem>>, vector<32x1xf32>
    %neg3A = arith.constant 0.000000e+00 : f32
    %neg3A_8 = vector.broadcast %neg3A : f32 to vector<1x16000xf32>
    %neg3A_9 = arith.subf %neg3A_8, %get3A_1 : vector<1x16000xf32>
    %exp3A = math.exp %neg3A_9 : vector<1x16000xf32>
    %sub3A = vector.broadcast %exp3A : vector<1x16000xf32> to vector<32x16000xf32>
    %sub3A_10 = vector.broadcast %get3A_4 : vector<32x1xf32> to vector<32x16000xf32>
    %sub3A_11 = arith.subf %sub3A, %sub3A_10 : vector<32x16000xf32>
    %neg3A_12 = arith.constant 0.000000e+00 : f32
    %neg3A_13 = vector.broadcast %neg3A_12 : f32 to vector<32x1xf32>
    %neg3A_14 = arith.subf %neg3A_13, %get3A_7 : vector<32x1xf32>
    %mul3A = vector.broadcast %neg3A_14 : vector<32x1xf32> to vector<32x16000xf32>
    %mul3A_15 = arith.mulf %mul3A, %sub3A_11 : vector<32x16000xf32>
    %mul3A_16 = arith.mulf %mul3A_15, %sub3A_11 : vector<32x16000xf32>
    %exp3A_17 = math.exp %mul3A_16 : vector<32x16000xf32>
    %get3A_18 = arith.constant 0 : index
    %get3A_19 = arith.constant 0 : index
    %get3A_20 = vector.load %arg4[%get3A_18, %get3A_19] : memref<24x32xf32, #tpu.memory_space<vmem>>, vector<24x32xf32>
    %dot_general3A = arith.constant dense<0.000000e+00> : vector<24x16000xf32>
    %dot_general3A_21 = tpu.matmul %get3A_20, %exp3A_17, %dot_general3A {dimension_numbers = #tpu.dot_dimension_numbers<[1], [0], [0], [1], [0, 0, 1, 1], [], []>, transpose_lhs_hint = false} : vector<24x32xf32>, vector<32x16000xf32>, vector<24x16000xf32> -> vector<24x16000xf32>
    %get3A_22 = arith.constant 0 : index
    %get3A_23 = arith.constant 0 : index
    %get3A_24 = vector.load %arg5[%get3A_22, %get3A_23] : memref<24x1xf32, #tpu.memory_space<vmem>>, vector<24x1xf32>
    %add3A = vector.broadcast %get3A_24 : vector<24x1xf32> to vector<24x16000xf32>
    %add3A_25 = arith.addf %dot_general3A_21, %add3A : vector<24x16000xf32>
    %lt3A = arith.constant 5.000000e+00 : f32
    %lt3A_26 = vector.broadcast %lt3A : f32 to vector<1x16000xf32>
    %lt3A_27 = arith.cmpf olt, %get3A_1, %lt3A_26 : vector<1x16000xf32>
    %mul3A_28 = arith.constant 0.628318548 : f32
    %mul3A_29 = vector.broadcast %mul3A_28 : f32 to vector<1x16000xf32>
    %mul3A_30 = arith.mulf %get3A_1, %mul3A_29 : vector<1x16000xf32>
    %cos3A = math.cos %mul3A_30 : vector<1x16000xf32>
    %add3A_31 = arith.constant 1.000000e+00 : f32
    %add3A_32 = vector.broadcast %add3A_31 : f32 to vector<1x16000xf32>
    %add3A_33 = arith.addf %cos3A, %add3A_32 : vector<1x16000xf32>
    %mul3A_34 = arith.constant 5.000000e-01 : f32
    %mul3A_35 = vector.broadcast %mul3A_34 : f32 to vector<1x16000xf32>
    %mul3A_36 = arith.mulf %mul3A_35, %add3A_33 : vector<1x16000xf32>
    %jit3A = arith.constant 0.000000e+00 : f32
    %broadcast_in_dim3A = vector.broadcast %jit3A : f32 to vector<1x16000xf32>
    %select_n3A = arith.select %lt3A_27, %mul3A_36, %broadcast_in_dim3A : vector<1x16000xi1>, vector<1x16000xf32>
    %get3A_37 = arith.constant 0 : index
    %get3A_38 = arith.constant 0 : index
    %get3A_39 = vector.load %arg3[%get3A_37, %get3A_38] : memref<8x16000xf32, #tpu.memory_space<vmem>>, vector<8x16000xf32>
    %mul3A_40 = vector.broadcast %select_n3A : vector<1x16000xf32> to vector<8x16000xf32>
    %mul3A_41 = arith.mulf %mul3A_40, %get3A_39 : vector<8x16000xf32>
    %slice3A = vector.extract_strided_slice %add3A_25 {offsets = [0, 0], sizes = [8, 16000], strides = [1, 1]} : vector<24x16000xf32> to vector<8x16000xf32>
    %mul3A_42 = arith.mulf %slice3A, %mul3A_41 : vector<8x16000xf32>
    %slice3A_43 = vector.extract_strided_slice %add3A_25 {offsets = [8, 0], sizes = [8, 16000], strides = [1, 1]} : vector<24x16000xf32> to vector<8x16000xf32>
    %mul3A_44 = arith.mulf %slice3A_43, %mul3A_41 : vector<8x16000xf32>
    %slice3A_45 = vector.extract_strided_slice %add3A_25 {offsets = [16, 0], sizes = [8, 16000], strides = [1, 1]} : vector<24x16000xf32> to vector<8x16000xf32>
    %mul3A_46 = arith.mulf %slice3A_45, %mul3A_41 : vector<8x16000xf32>
    %get3A_47 = arith.constant 0 : index
    %get3A_48 = arith.constant 0 : index
    %get3A_49 = vector.load %arg2[%get3A_47, %get3A_48] : memref<3x16000xf32, #tpu.memory_space<vmem>>, vector<3x16000xf32>
    %div3A = vector.broadcast %get3A_1 : vector<1x16000xf32> to vector<3x16000xf32>
    %div3A_50 = arith.divf %get3A_49, %div3A : vector<3x16000xf32>
    %slice3A_51 = vector.extract_strided_slice %div3A_50 {offsets = [0, 0], sizes = [1, 16000], strides = [1, 1]} : vector<3x16000xf32> to vector<1x16000xf32>
    %slice3A_52 = vector.extract_strided_slice %div3A_50 {offsets = [1, 0], sizes = [1, 16000], strides = [1, 1]} : vector<3x16000xf32> to vector<1x16000xf32>
    %slice3A_53 = vector.extract_strided_slice %div3A_50 {offsets = [2, 0], sizes = [1, 16000], strides = [1, 1]} : vector<3x16000xf32> to vector<1x16000xf32>
    %mul3A_54 = arith.mulf %slice3A_51, %slice3A_51 : vector<1x16000xf32>
    %mul3A_55 = arith.mulf %slice3A_52, %slice3A_52 : vector<1x16000xf32>
    %add3A_56 = arith.addf %mul3A_54, %mul3A_55 : vector<1x16000xf32>
    %mul3A_57 = arith.mulf %slice3A_53, %slice3A_53 : vector<1x16000xf32>
    %add3A_58 = arith.addf %add3A_56, %mul3A_57 : vector<1x16000xf32>
    %mul3A_59 = arith.constant 0.333333343 : f32
    %mul3A_60 = vector.broadcast %mul3A_59 : f32 to vector<1x16000xf32>
    %mul3A_61 = arith.mulf %add3A_58, %mul3A_60 : vector<1x16000xf32>
    %broadcast_in_dim3A_62 = arith.constant 0.000000e+00 : f32
    %broadcast_in_dim3A_63 = vector.broadcast %broadcast_in_dim3A_62 : f32 to vector<8x16000xf32>
    %neg3A_64 = arith.constant 0.000000e+00 : f32
    %neg3A_65 = vector.broadcast %neg3A_64 : f32 to vector<1x16000xf32>
    %neg3A_66 = arith.subf %neg3A_65, %slice3A_53 : vector<1x16000xf32>
    %neg3A_67 = arith.constant 0.000000e+00 : f32
    %neg3A_68 = vector.broadcast %neg3A_67 : f32 to vector<1x16000xf32>
    %neg3A_69 = arith.subf %neg3A_68, %slice3A_51 : vector<1x16000xf32>
    %neg3A_70 = arith.constant 0.000000e+00 : f32
    %neg3A_71 = vector.broadcast %neg3A_70 : f32 to vector<1x16000xf32>
    %neg3A_72 = arith.subf %neg3A_71, %slice3A_52 : vector<1x16000xf32>
    %swap3A = arith.constant 0 : index
    %swap3A_73 = arith.constant 0 : index
    %swap3A_74 = vector.load %arg8[%swap3A, %swap3A_73] : memref<72x16000xf32, #tpu.memory_space<vmem>>, vector<8x16000xf32>
    tpu.vector_store %arg8[%swap3A, %swap3A_73], %mul3A_42 {strides = array<i32>} : memref<72x16000xf32, #tpu.memory_space<vmem>>, vector<8x16000xf32>,
    %swap3A_75 = arith.constant 0 : index
    %swap3A_76 = arith.constant 0 : index
    %swap3A_77 = vector.load %arg9[%swap3A_75, %swap3A_76] : memref<72x16000xf32, #tpu.memory_space<vmem>>, vector<8x16000xf32>
    tpu.vector_store %arg9[%swap3A_75, %swap3A_76], %broadcast_in_dim3A_63 {strides = array<i32>} : memref<72x16000xf32, #tpu.memory_space<vmem>>, vector<8x16000xf32>,
    %slice3A_78 = vector.extract_strided_slice %div3A_50 {offsets = [0, 0], sizes = [1, 16000], strides = [1, 1]} : vector<3x16000xf32> to vector<1x16000xf32>
    %slice3A_79 = vector.extract_strided_slice %div3A_50 {offsets = [0, 0], sizes = [1, 16000], strides = [1, 1]} : vector<3x16000xf32> to vector<1x16000xf32>
    %mul3A_80 = arith.mulf %slice3A_78, %slice3A_79 : vector<1x16000xf32>
    %sub3A_81 = arith.subf %mul3A_80, %mul3A_61 : vector<1x16000xf32>
    %mul3A_82 = vector.broadcast %sub3A_81 : vector<1x16000xf32> to vector<8x16000xf32>
    %mul3A_83 = arith.mulf %mul3A_82, %mul3A_46 : vector<8x16000xf32>
    %swap3A_84 = arith.constant 0 : index
    %swap3A_85 = arith.constant 0 : index
    %swap3A_86 = vector.load %arg10[%swap3A_84, %swap3A_85] : memref<72x16000xf32, #tpu.memory_space<vmem>>, vector<8x16000xf32>
    tpu.vector_store %arg10[%swap3A_84, %swap3A_85], %mul3A_83 {strides = array<i32>} : memref<72x16000xf32, #tpu.memory_space<vmem>>, vector<8x16000xf32>,
    %swap3A_87 = arith.constant 8 : index
    %swap3A_88 = arith.constant 0 : index
    %swap3A_89 = vector.load %arg8[%swap3A_87, %swap3A_88] : memref<72x16000xf32, #tpu.memory_space<vmem>>, vector<8x16000xf32>
    tpu.vector_store %arg8[%swap3A_87, %swap3A_88], %broadcast_in_dim3A_63 {strides = array<i32>} : memref<72x16000xf32, #tpu.memory_space<vmem>>, vector<8x16000xf32>,
    %mul3A_90 = vector.broadcast %neg3A_66 : vector<1x16000xf32> to vector<8x16000xf32>
    %mul3A_91 = arith.mulf %mul3A_90, %mul3A_44 : vector<8x16000xf32>
    %swap3A_92 = arith.constant 8 : index
    %swap3A_93 = arith.constant 0 : index
    %swap3A_94 = vector.load %arg9[%swap3A_92, %swap3A_93] : memref<72x16000xf32, #tpu.memory_space<vmem>>, vector<8x16000xf32>
    tpu.vector_store %arg9[%swap3A_92, %swap3A_93], %mul3A_91 {strides = array<i32>} : memref<72x16000xf32, #tpu.memory_space<vmem>>, vector<8x16000xf32>,
    %slice3A_95 = vector.extract_strided_slice %div3A_50 {offsets = [0, 0], sizes = [1, 16000], strides = [1, 1]} : vector<3x16000xf32> to vector<1x16000xf32>
    %slice3A_96 = vector.extract_strided_slice %div3A_50 {offsets = [1, 0], sizes = [1, 16000], strides = [1, 1]} : vector<3x16000xf32> to vector<1x16000xf32>
    %mul3A_97 = arith.mulf %slice3A_95, %slice3A_96 : vector<1x16000xf32>
    %mul3A_98 = vector.broadcast %mul3A_97 : vector<1x16000xf32> to vector<8x16000xf32>
    %mul3A_99 = arith.mulf %mul3A_98, %mul3A_46 : vector<8x16000xf32>
    %swap3A_100 = arith.constant 8 : index
    %swap3A_101 = arith.constant 0 : index
    %swap3A_102 = vector.load %arg10[%swap3A_100, %swap3A_101] : memref<72x16000xf32, #tpu.memory_space<vmem>>, vector<8x16000xf32>
    tpu.vector_store %arg10[%swap3A_100, %swap3A_101], %mul3A_99 {strides = array<i32>} : memref<72x16000xf32, #tpu.memory_space<vmem>>, vector<8x16000xf32>,
    %swap3A_103 = arith.constant 16 : index
    %swap3A_104 = arith.constant 0 : index
    %swap3A_105 = vector.load %arg8[%swap3A_103, %swap3A_104] : memref<72x16000xf32, #tpu.memory_space<vmem>>, vector<8x16000xf32>
    tpu.vector_store %arg8[%swap3A_103, %swap3A_104], %broadcast_in_dim3A_63 {strides = array<i32>} : memref<72x16000xf32, #tpu.memory_space<vmem>>, vector<8x16000xf32>,
    %mul3A_106 = vector.broadcast %slice3A_52 : vector<1x16000xf32> to vector<8x16000xf32>
    %mul3A_107 = arith.mulf %mul3A_106, %mul3A_44 : vector<8x16000xf32>
    %swap3A_108 = arith.constant 16 : index
    %swap3A_109 = arith.constant 0 : index
    %swap3A_110 = vector.load %arg9[%swap3A_108, %swap3A_109] : memref<72x16000xf32, #tpu.memory_space<vmem>>, vector<8x16000xf32>
    tpu.vector_store %arg9[%swap3A_108, %swap3A_109], %mul3A_107 {strides = array<i32>} : memref<72x16000xf32, #tpu.memory_space<vmem>>, vector<8x16000xf32>,
    %slice3A_111 = vector.extract_strided_slice %div3A_50 {offsets = [0, 0], sizes = [1, 16000], strides = [1, 1]} : vector<3x16000xf32> to vector<1x16000xf32>
    %slice3A_112 = vector.extract_strided_slice %div3A_50 {offsets = [2, 0], sizes = [1, 16000], strides = [1, 1]} : vector<3x16000xf32> to vector<1x16000xf32>
    %mul3A_113 = arith.mulf %slice3A_111, %slice3A_112 : vector<1x16000xf32>
    %mul3A_114 = vector.broadcast %mul3A_113 : vector<1x16000xf32> to vector<8x16000xf32>
    %mul3A_115 = arith.mulf %mul3A_114, %mul3A_46 : vector<8x16000xf32>
    %swap3A_116 = arith.constant 16 : index
    %swap3A_117 = arith.constant 0 : index
    %swap3A_118 = vector.load %arg10[%swap3A_116, %swap3A_117] : memref<72x16000xf32, #tpu.memory_space<vmem>>, vector<8x16000xf32>
    tpu.vector_store %arg10[%swap3A_116, %swap3A_117], %mul3A_115 {strides = array<i32>} : memref<72x16000xf32, #tpu.memory_space<vmem>>, vector<8x16000xf32>,
    %swap3A_119 = arith.constant 24 : index
    %swap3A_120 = arith.constant 0 : index
    %swap3A_121 = vector.load %arg8[%swap3A_119, %swap3A_120] : memref<72x16000xf32, #tpu.memory_space<vmem>>, vector<8x16000xf32>
    tpu.vector_store %arg8[%swap3A_119, %swap3A_120], %broadcast_in_dim3A_63 {strides = array<i32>} : memref<72x16000xf32, #tpu.memory_space<vmem>>, vector<8x16000xf32>,
    %mul3A_122 = vector.broadcast %slice3A_53 : vector<1x16000xf32> to vector<8x16000xf32>
    %mul3A_123 = arith.mulf %mul3A_122, %mul3A_44 : vector<8x16000xf32>
    %swap3A_124 = arith.constant 24 : index
    %swap3A_125 = arith.constant 0 : index
    %swap3A_126 = vector.load %arg9[%swap3A_124, %swap3A_125] : memref<72x16000xf32, #tpu.memory_space<vmem>>, vector<8x16000xf32>
    tpu.vector_store %arg9[%swap3A_124, %swap3A_125], %mul3A_123 {strides = array<i32>} : memref<72x16000xf32, #tpu.memory_space<vmem>>, vector<8x16000xf32>,
    %slice3A_127 = vector.extract_strided_slice %div3A_50 {offsets = [1, 0], sizes = [1, 16000], strides = [1, 1]} : vector<3x16000xf32> to vector<1x16000xf32>
    %slice3A_128 = vector.extract_strided_slice %div3A_50 {offsets = [0, 0], sizes = [1, 16000], strides = [1, 1]} : vector<3x16000xf32> to vector<1x16000xf32>
    %mul3A_129 = arith.mulf %slice3A_127, %slice3A_128 : vector<1x16000xf32>
    %mul3A_130 = vector.broadcast %mul3A_129 : vector<1x16000xf32> to vector<8x16000xf32>
    %mul3A_131 = arith.mulf %mul3A_130, %mul3A_46 : vector<8x16000xf32>
    %swap3A_132 = arith.constant 24 : index
    %swap3A_133 = arith.constant 0 : index
    %swap3A_134 = vector.load %arg10[%swap3A_132, %swap3A_133] : memref<72x16000xf32, #tpu.memory_space<vmem>>, vector<8x16000xf32>
    tpu.vector_store %arg10[%swap3A_132, %swap3A_133], %mul3A_131 {strides = array<i32>} : memref<72x16000xf32, #tpu.memory_space<vmem>>, vector<8x16000xf32>,
    %swap3A_135 = arith.constant 32 : index
    %swap3A_136 = arith.constant 0 : index
    %swap3A_137 = vector.load %arg8[%swap3A_135, %swap3A_136] : memref<72x16000xf32, #tpu.memory_space<vmem>>, vector<8x16000xf32>
    tpu.vector_store %arg8[%swap3A_135, %swap3A_136], %mul3A_42 {strides = array<i32>} : memref<72x16000xf32, #tpu.memory_space<vmem>>, vector<8x16000xf32>,
    %swap3A_138 = arith.constant 32 : index
    %swap3A_139 = arith.constant 0 : index
    %swap3A_140 = vector.load %arg9[%swap3A_138, %swap3A_139] : memref<72x16000xf32, #tpu.memory_space<vmem>>, vector<8x16000xf32>
    tpu.vector_store %arg9[%swap3A_138, %swap3A_139], %broadcast_in_dim3A_63 {strides = array<i32>} : memref<72x16000xf32, #tpu.memory_space<vmem>>, vector<8x16000xf32>,
    %slice3A_141 = vector.extract_strided_slice %div3A_50 {offsets = [1, 0], sizes = [1, 16000], strides = [1, 1]} : vector<3x16000xf32> to vector<1x16000xf32>
    %slice3A_142 = vector.extract_strided_slice %div3A_50 {offsets = [1, 0], sizes = [1, 16000], strides = [1, 1]} : vector<3x16000xf32> to vector<1x16000xf32>
    %mul3A_143 = arith.mulf %slice3A_141, %slice3A_142 : vector<1x16000xf32>
    %sub3A_144 = arith.subf %mul3A_143, %mul3A_61 : vector<1x16000xf32>
    %mul3A_145 = vector.broadcast %sub3A_144 : vector<1x16000xf32> to vector<8x16000xf32>
    %mul3A_146 = arith.mulf %mul3A_145, %mul3A_46 : vector<8x16000xf32>
    %swap3A_147 = arith.constant 32 : index
    %swap3A_148 = arith.constant 0 : index
    %swap3A_149 = vector.load %arg10[%swap3A_147, %swap3A_148] : memref<72x16000xf32, #tpu.memory_space<vmem>>, vector<8x16000xf32>
    tpu.vector_store %arg10[%swap3A_147, %swap3A_148], %mul3A_146 {strides = array<i32>} : memref<72x16000xf32, #tpu.memory_space<vmem>>, vector<8x16000xf32>,
    %swap3A_150 = arith.constant 40 : index
    %swap3A_151 = arith.constant 0 : index
    %swap3A_152 = vector.load %arg8[%swap3A_150, %swap3A_151] : memref<72x16000xf32, #tpu.memory_space<vmem>>, vector<8x16000xf32>
    tpu.vector_store %arg8[%swap3A_150, %swap3A_151], %broadcast_in_dim3A_63 {strides = array<i32>} : memref<72x16000xf32, #tpu.memory_space<vmem>>, vector<8x16000xf32>,
    %mul3A_153 = vector.broadcast %neg3A_69 : vector<1x16000xf32> to vector<8x16000xf32>
    %mul3A_154 = arith.mulf %mul3A_153, %mul3A_44 : vector<8x16000xf32>
    %swap3A_155 = arith.constant 40 : index
    %swap3A_156 = arith.constant 0 : index
    %swap3A_157 = vector.load %arg9[%swap3A_155, %swap3A_156] : memref<72x16000xf32, #tpu.memory_space<vmem>>, vector<8x16000xf32>
    tpu.vector_store %arg9[%swap3A_155, %swap3A_156], %mul3A_154 {strides = array<i32>} : memref<72x16000xf32, #tpu.memory_space<vmem>>, vector<8x16000xf32>,
    %slice3A_158 = vector.extract_strided_slice %div3A_50 {offsets = [1, 0], sizes = [1, 16000], strides = [1, 1]} : vector<3x16000xf32> to vector<1x16000xf32>
    %slice3A_159 = vector.extract_strided_slice %div3A_50 {offsets = [2, 0], sizes = [1, 16000], strides = [1, 1]} : vector<3x16000xf32> to vector<1x16000xf32>
    %mul3A_160 = arith.mulf %slice3A_158, %slice3A_159 : vector<1x16000xf32>
    %mul3A_161 = vector.broadcast %mul3A_160 : vector<1x16000xf32> to vector<8x16000xf32>
    %mul3A_162 = arith.mulf %mul3A_161, %mul3A_46 : vector<8x16000xf32>
    %swap3A_163 = arith.constant 40 : index
    %swap3A_164 = arith.constant 0 : index
    %swap3A_165 = vector.load %arg10[%swap3A_163, %swap3A_164] : memref<72x16000xf32, #tpu.memory_space<vmem>>, vector<8x16000xf32>
    tpu.vector_store %arg10[%swap3A_163, %swap3A_164], %mul3A_162 {strides = array<i32>} : memref<72x16000xf32, #tpu.memory_space<vmem>>, vector<8x16000xf32>,
    %swap3A_166 = arith.constant 48 : index
    %swap3A_167 = arith.constant 0 : index
    %swap3A_168 = vector.load %arg8[%swap3A_166, %swap3A_167] : memref<72x16000xf32, #tpu.memory_space<vmem>>, vector<8x16000xf32>
    tpu.vector_store %arg8[%swap3A_166, %swap3A_167], %broadcast_in_dim3A_63 {strides = array<i32>} : memref<72x16000xf32, #tpu.memory_space<vmem>>, vector<8x16000xf32>,
    %mul3A_169 = vector.broadcast %neg3A_72 : vector<1x16000xf32> to vector<8x16000xf32>
    %mul3A_170 = arith.mulf %mul3A_169, %mul3A_44 : vector<8x16000xf32>
    %swap3A_171 = arith.constant 48 : index
    %swap3A_172 = arith.constant 0 : index
    %swap3A_173 = vector.load %arg9[%swap3A_171, %swap3A_172] : memref<72x16000xf32, #tpu.memory_space<vmem>>, vector<8x16000xf32>
    tpu.vector_store %arg9[%swap3A_171, %swap3A_172], %mul3A_170 {strides = array<i32>} : memref<72x16000xf32, #tpu.memory_space<vmem>>, vector<8x16000xf32>,
    %slice3A_174 = vector.extract_strided_slice %div3A_50 {offsets = [2, 0], sizes = [1, 16000], strides = [1, 1]} : vector<3x16000xf32> to vector<1x16000xf32>
    %slice3A_175 = vector.extract_strided_slice %div3A_50 {offsets = [0, 0], sizes = [1, 16000], strides = [1, 1]} : vector<3x16000xf32> to vector<1x16000xf32>
    %mul3A_176 = arith.mulf %slice3A_174, %slice3A_175 : vector<1x16000xf32>
    %mul3A_177 = vector.broadcast %mul3A_176 : vector<1x16000xf32> to vector<8x16000xf32>
    %mul3A_178 = arith.mulf %mul3A_177, %mul3A_46 : vector<8x16000xf32>
    %swap3A_179 = arith.constant 48 : index
    %swap3A_180 = arith.constant 0 : index
    %swap3A_181 = vector.load %arg10[%swap3A_179, %swap3A_180] : memref<72x16000xf32, #tpu.memory_space<vmem>>, vector<8x16000xf32>
    tpu.vector_store %arg10[%swap3A_179, %swap3A_180], %mul3A_178 {strides = array<i32>} : memref<72x16000xf32, #tpu.memory_space<vmem>>, vector<8x16000xf32>,
    %swap3A_182 = arith.constant 56 : index
    %swap3A_183 = arith.constant 0 : index
    %swap3A_184 = vector.load %arg8[%swap3A_182, %swap3A_183] : memref<72x16000xf32, #tpu.memory_space<vmem>>, vector<8x16000xf32>
    tpu.vector_store %arg8[%swap3A_182, %swap3A_183], %broadcast_in_dim3A_63 {strides = array<i32>} : memref<72x16000xf32, #tpu.memory_space<vmem>>, vector<8x16000xf32>,
    %mul3A_185 = vector.broadcast %slice3A_51 : vector<1x16000xf32> to vector<8x16000xf32>
    %mul3A_186 = arith.mulf %mul3A_185, %mul3A_44 : vector<8x16000xf32>
    %swap3A_187 = arith.constant 56 : index
    %swap3A_188 = arith.constant 0 : index
    %swap3A_189 = vector.load %arg9[%swap3A_187, %swap3A_188] : memref<72x16000xf32, #tpu.memory_space<vmem>>, vector<8x16000xf32>
    tpu.vector_store %arg9[%swap3A_187, %swap3A_188], %mul3A_186 {strides = array<i32>} : memref<72x16000xf32, #tpu.memory_space<vmem>>, vector<8x16000xf32>,
    %slice3A_190 = vector.extract_strided_slice %div3A_50 {offsets = [2, 0], sizes = [1, 16000], strides = [1, 1]} : vector<3x16000xf32> to vector<1x16000xf32>
    %slice3A_191 = vector.extract_strided_slice %div3A_50 {offsets = [1, 0], sizes = [1, 16000], strides = [1, 1]} : vector<3x16000xf32> to vector<1x16000xf32>
    %mul3A_192 = arith.mulf %slice3A_190, %slice3A_191 : vector<1x16000xf32>
    %mul3A_193 = vector.broadcast %mul3A_192 : vector<1x16000xf32> to vector<8x16000xf32>
    %mul3A_194 = arith.mulf %mul3A_193, %mul3A_46 : vector<8x16000xf32>
    %swap3A_195 = arith.constant 56 : index
    %swap3A_196 = arith.constant 0 : index
    %swap3A_197 = vector.load %arg10[%swap3A_195, %swap3A_196] : memref<72x16000xf32, #tpu.memory_space<vmem>>, vector<8x16000xf32>
    tpu.vector_store %arg10[%swap3A_195, %swap3A_196], %mul3A_194 {strides = array<i32>} : memref<72x16000xf32, #tpu.memory_space<vmem>>, vector<8x16000xf32>,
    %swap3A_198 = arith.constant 64 : index
    %swap3A_199 = arith.constant 0 : index
    %swap3A_200 = vector.load %arg8[%swap3A_198, %swap3A_199] : memref<72x16000xf32, #tpu.memory_space<vmem>>, vector<8x16000xf32>
    tpu.vector_store %arg8[%swap3A_198, %swap3A_199], %mul3A_42 {strides = array<i32>} : memref<72x16000xf32, #tpu.memory_space<vmem>>, vector<8x16000xf32>,
    %swap3A_201 = arith.constant 64 : index
    %swap3A_202 = arith.constant 0 : index
    %swap3A_203 = vector.load %arg9[%swap3A_201, %swap3A_202] : memref<72x16000xf32, #tpu.memory_space<vmem>>, vector<8x16000xf32>
    tpu.vector_store %arg9[%swap3A_201, %swap3A_202], %broadcast_in_dim3A_63 {strides = array<i32>} : memref<72x16000xf32, #tpu.memory_space<vmem>>, vector<8x16000xf32>,
    %slice3A_204 = vector.extract_strided_slice %div3A_50 {offsets = [2, 0], sizes = [1, 16000], strides = [1, 1]} : vector<3x16000xf32> to vector<1x16000xf32>
    %slice3A_205 = vector.extract_strided_slice %div3A_50 {offsets = [2, 0], sizes = [1, 16000], strides = [1, 1]} : vector<3x16000xf32> to vector<1x16000xf32>
    %mul3A_206 = arith.mulf %slice3A_204, %slice3A_205 : vector<1x16000xf32>
    %sub3A_207 = arith.subf %mul3A_206, %mul3A_61 : vector<1x16000xf32>
    %mul3A_208 = vector.broadcast %sub3A_207 : vector<1x16000xf32> to vector<8x16000xf32>
    %mul3A_209 = arith.mulf %mul3A_208, %mul3A_46 : vector<8x16000xf32>
    %swap3A_210 = arith.constant 64 : index
    %swap3A_211 = arith.constant 0 : index
    %swap3A_212 = vector.load %arg10[%swap3A_210, %swap3A_211] : memref<72x16000xf32, #tpu.memory_space<vmem>>, vector<8x16000xf32>
    tpu.vector_store %arg10[%swap3A_210, %swap3A_211], %mul3A_209 {strides = array<i32>} : memref<72x16000xf32, #tpu.memory_space<vmem>>, vector<8x16000xf32>,
    return
  }
  func.func @transform_0(%arg0: i32) -> (i32, i32) {
    %c0_i32 = arith.constant 0 : i32
    %c0_i32_0 = arith.constant 0 : i32
    return %c0_i32, %arg0 : i32, i32
  }
  func.func @transform_1(%arg0: i32) -> (i32, i32) {
    %c0_i32 = arith.constant 0 : i32
    %c0_i32_0 = arith.constant 0 : i32
    return %c0_i32, %arg0 : i32, i32
  }
  func.func @transform_2(%arg0: i32) -> (i32, i32) {
    %c0_i32 = arith.constant 0 : i32
    %c0_i32_0 = arith.constant 0 : i32
    return %c0_i32, %arg0 : i32, i32
  }
  func.func @transform_3(%arg0: i32) -> (i32, i32) {
    %c0_i32 = arith.constant 0 : i32
    %c0_i32_0 = arith.constant 0 : i32
    %c0_i32_1 = arith.constant 0 : i32
    return %c0_i32, %c0_i32_0 : i32, i32
  }
  func.func @transform_4(%arg0: i32) -> (i32, i32) {
    %c0_i32 = arith.constant 0 : i32
    %c0_i32_0 = arith.constant 0 : i32
    %c0_i32_1 = arith.constant 0 : i32
    return %c0_i32, %c0_i32_0 : i32, i32
  }
  func.func @transform_5(%arg0: i32) -> (i32, i32) {
    %c0_i32 = arith.constant 0 : i32
    %c0_i32_0 = arith.constant 0 : i32
    %c0_i32_1 = arith.constant 0 : i32
    return %c0_i32, %c0_i32_0 : i32, i32
  }
  func.func @transform_6(%arg0: i32) -> (i32, i32) {
    %c0_i32 = arith.constant 0 : i32
    %c0_i32_0 = arith.constant 0 : i32
    %c0_i32_1 = arith.constant 0 : i32
    return %c0_i32, %c0_i32_0 : i32, i32
  }
  func.func @transform_7(%arg0: i32) -> (i32, i32) {
    %c0_i32 = arith.constant 0 : i32
    %c0_i32_0 = arith.constant 0 : i32
    return %c0_i32, %arg0 : i32, i32
  }
  func.func @transform_8(%arg0: i32) -> (i32, i32) {
    %c0_i32 = arith.constant 0 : i32
    %c0_i32_0 = arith.constant 0 : i32
    return %c0_i32, %arg0 : i32, i32
  }
  func.func @transform_9(%arg0: i32) -> (i32, i32) {
    %c0_i32 = arith.constant 0 : i32
    %c0_i32_0 = arith.constant 0 : i32
    return %c0_i32, %arg0 : i32, i32
  }
}

</mosaic_0001>

<sc_bundles>
// kernel: kernel.4.cloned.1.call-start
scs
__scs_entry_jumppad:
0x0: {  	(pc) =	sbr.rel $0x88, $3  }
0x1: {  	(tag) =	ssettag $0x0;
	lr =	simm.s32 $0x1  }
0x2: {  	[smem:$0x3F97] =	sst lr;
	_ =	strace $0xD0000000  }
0x3: {  	_ = 	snop  }
0x4: {  	_ = 	snop  }
0x5: {  	_ = 	snop  }
0x6: {  	_ = 	snop  }
0x7: {  	_ = 	snop  }
__scs_overlays_trampoline_lowered:
0x8: {  	[smem:$0x3FA6] =	sst s0  }
0x9: {  	[smem:$0x3FA7] =	sst s1  }
0xa: {  	[smem:$0x3FA8] =	sst s2  }
0xb: {  	[smem:$0x3FA9] =	sst s3  }
0xc: {  	[smem:$0x3FAA] =	sst s4  }
0xd: {  	[smem:$0x3FAB] =	sst s5  }
0xe: {  	[smem:$0x3FAC] =	sst s6  }
0xf: {  	[smem:$0x3FAD] =	sst s7  }
0x10: {  	[smem:$0x3FAE] =	sst s8  }
0x11: {  	[smem:$0x3FAF] =	sst s9;
	s0 =	simm.s32 @!p0 $0x0  }
0x12: {  	s1 =	sld [smem:$0x3F95];
	s0 =	simm.s32 @p0 $0x1  }
0x13: {  	[smem:$0x3FB0] =	sst s0;
	s0 =	simm.s32 @!p1 $0x0  }
0x14: {  	s2 =	sld [smem:$0x3F94];
	s0 =	simm.s32 @p1 $0x1  }
0x15: {  	[smem:$0x3FB1] =	sst s0;
	s0 =	simm.s32 @!p2 $0x0  }
0x16: {  	s3 =	sld [smem:$0x3FDB];
	s0 =	simm.s32 @p2 $0x1  }
0x17: {  	s4 =	simm.s32 $0x1BF5;
	[smem:$0x3FB3] =	sst s0  }
0x18: {  	s0 =	sld [smem:$0x3F96];
	_ =	swait.ge [sflag:s4], $0x0  }
0x19: {  	s7 =	sld [smem:$0x3F97]  }
0x1a: {  	s8 =	sadd.s32 $0xFFFFE003, lr  }
0x1b: {  	s9 =	sadd.s32 $0xFFFFFEF7, lr;
	s5 =	simm.s32 $0xFFFFFFFF;
	p2 =	slt.u32 s8, $0xFFFFF086  }
0x1c: {  	p1 =	slt.u32 s9, $0xF7A;
	s5 =	simm.s32 @!p2 $0x0  }
0x1d: {  	s5 =	simm.s32 @p1 $0x1;
	p0 =	seq.s32 s7, s2  }
0x1e: {  	s7 =	smul.u32 @!p0 $0xF7A, s2;
	p2 =	seq.s32 @!p0 s5, $0x0  }
0x1f: {  	s9 =	smul.u32 $0xF7A, s1;
	s8 =	simm.s32 @!p0 $0x1BF5;
	p2 =	por !p2, p0  }
0x20: {  	[sflag:s8] =	ssyncset.s32 @!p0 $0xFFFFF086;
	s6 =	sadd.s32 @!p0 s3, s7;
	s7 =	simm.s32 @!p0 $0x108  }
0x21: {  	s3 =	sadd.s32 s3, s9;
	s6 =	sadd.s32 @!p0 $0x88, s6;
	s7 =	simm.s32 @p2 $0x1082  }
0x22: {  	[simem:s7], [sflag:s8] =	dma.local @!p0 [hbm:s6], $0xF7A  }
0x23: {  	s9 =	sor.u32 $0xD0000000, s2;
	s6 =	simm.s32 $0x108;
	_ =	swait.ge @!p0 [sflag:s8], $0x0  }
0x24: {  	s3 =	sadd.s32 $0x88, s3;
	s6 =	simm.s32 @!p1 $0x1082;
	[sflag:s4] =	ssyncset.s32 $0xFFFFF086  }
0x25: {  	[simem:s6], [sflag:s4] =	dma.local [hbm:s3], $0xF7A  }
0x26: {  	[smem:$0x3F97] =	sst s1;
	(tag) =	ssettag s2;
	_ =	strace s9  }
0x27: {  	s1 =	sld [smem:$0x3FA7]  }
0x28: {  	s2 =	sld [smem:$0x3FA8]  }
0x29: {  	s4 =	sld [smem:$0x3FAA]  }
0x2a: {  	p0 =	seq.s32 s5, $0x0;
	s5 =	sld [smem:$0x3FAB]  }
0x2b: {  	s6 =	sld [smem:$0x3FAC]  }
0x2c: {  	s7 =	sld [smem:$0x3FAD]  }
0x2d: {  	s3 =	simm.s32 $0x108;
	s8 =	sld [smem:$0x3FAE]  }
0x2e: {  	s3 =	simm.s32 @!p0 $0x1082;
	s9 =	sld [smem:$0x3FAF]  }
0x2f: {  	lr =	sadd.s32 s0, s3;
	s0 =	sld [smem:$0x3FA6]  }
0x30: {  	s3 =	sld [smem:$0x3FA9]  }
0x31: {  	[smem:$0x3FB2] =	sst s10  }
0x32: {  	s10 =	sld [smem:$0x3FB0];
	_ =	sdelay $0x3  }
0x33: {  	p0 =	seq.s32 s10, $0x1;
	s10 =	sld [smem:$0x3FB2];
	_ =	sdelay $0x3  }
0x34: {  	[smem:$0x3FB2] =	sst s10  }
0x35: {  	s10 =	sld [smem:$0x3FB1];
	_ =	sdelay $0x3  }
0x36: {  	p1 =	seq.s32 s10, $0x1;
	s10 =	sld [smem:$0x3FB2];
	_ =	sdelay $0x3  }
0x37: {  	[smem:$0x3FB2] =	sst s10  }
0x38: {  	s10 =	sld [smem:$0x3FB3]  }
0x39: {  	_ = 	snop;
	(pc) =	sbr.ind lr, $3  }
0x3a: {  	_ = 	snop  }
0x3b: {  	_ = 	snop  }
0x3c: {  	p2 =	seq.s32 s10, $0x1;
	s10 =	sld [smem:$0x3FB2]  }
0x3d: {  	_ =	shalt  }
0x3e: {  	_ =	shalt  }
0x3f: {  	_ =	shalt  }
0x40: {  	_ =	shalt  }
0x41: {  	_ =	shalt  }
0x42: {  	_ =	shalt  }
0x43: {  	_ =	shalt  }
0x44: {  	_ =	shalt  }
0x45: {  	_ =	shalt  }
0x46: {  	_ =	shalt  }
0x47: {  	_ =	shalt  }
0x48: {  	_ =	shalt  }
0x49: {  	_ =	shalt  }
0x4a: {  	_ =	shalt  }
0x4b: {  	_ =	shalt  }
0x4c: {  	_ =	shalt  }
0x4d: {  	_ =	shalt  }
0x4e: {  	_ =	shalt  }
0x4f: {  	_ =	shalt  }
0x50: {  	_ =	shalt  }
0x51: {  	_ =	shalt  }
0x52: {  	_ =	shalt  }
0x53: {  	_ =	shalt  }
0x54: {  	_ =	shalt  }
0x55: {  	_ =	shalt  }
0x56: {  	_ =	shalt  }
0x57: {  	_ =	shalt  }
0x58: {  	_ =	shalt  }
0x59: {  	_ =	shalt  }
0x5a: {  	_ =	shalt  }
0x5b: {  	_ =	shalt  }
0x5c: {  	_ =	shalt  }
0x5d: {  	_ =	shalt  }
0x5e: {  	_ =	shalt  }
0x5f: {  	_ =	shalt  }
0x60: {  	_ =	shalt  }
0x61: {  	_ =	shalt  }
0x62: {  	_ =	shalt  }
0x63: {  	_ =	shalt  }
0x64: {  	_ =	shalt  }
0x65: {  	_ =	shalt  }
0x66: {  	_ =	shalt  }
0x67: {  	_ =	shalt  }
0x68: {  	_ =	shalt  }
0x69: {  	_ =	shalt  }
0x6a: {  	_ =	shalt  }
0x6b: {  	_ =	shalt  }
0x6c: {  	_ =	shalt  }
0x6d: {  	_ =	shalt  }
0x6e: {  	_ =	shalt  }
0x6f: {  	_ =	shalt  }
0x70: {  	_ =	shalt  }
0x71: {  	_ =	shalt  }
0x72: {  	_ =	shalt  }
0x73: {  	_ =	shalt  }
0x74: {  	_ =	shalt  }
0x75: {  	_ =	shalt  }
0x76: {  	_ =	shalt  }
0x77: {  	_ =	shalt  }
0x78: {  	_ =	shalt  }
0x79: {  	_ =	shalt  }
0x7a: {  	_ =	shalt  }
0x7b: {  	_ =	shalt  }
0x7c: {  	_ =	shalt  }
0x7d: {  	_ =	shalt  }
0x7e: {  	_ =	shalt  }
0x7f: {  	_ =	shalt  }
0x80: {  	_ =	shalt  }
0x81: {  	_ =	shalt  }
0x82: {  	_ =	shalt  }
0x83: {  	_ =	shalt  }
0x84: {  	_ =	shalt  }
0x85: {  	_ =	shalt  }
0x86: {  	_ =	shalt  }
0x87: {  	_ =	shalt  }
.Lfunc_end0:
.L_simem_size_0:
called_computation_lowered:
.L_overlay_start_0:
0x88: {  	s2 =	sld [smem:$0x3FD9]  }
0x89: {  	s3 =	sld [smem:$0x3FFE];
	_ =	sdelay $0x1  }
0x8a: {  	s1 =	srdreg.scid  }
0x8b: {  	s0 =	sand.u32 $0x1, s1  }
0x8c: {  	s14 =	sshll.u32 s0, $0xA;
	s2 =	sadd.s32 s3, s2  }
0x8d: {  	s2 =	sadd.s32 s2, s14  }
0x8e: {  	[smem:$0x3FBE] =	sst s2  }
0x8f: {  	_ = 	snop  }
0x90: {  	s2 =	sld [smem:$0x3FD0];
	_ =	sdelay $0x2  }
0x91: {  	s4 =	simm.s32 $0xA;
	s5 =	simm.s32 $0x10;
	s15 =	sld [smem:$0x3FC9]  }
0x92: {  	[smem:s5], [sflag:s4] =	dma.local [hbm:s2], $0x1  }
0x93: {  	_ =	swait.eq [sflag:s4], $0x1  }
0x94: {  	s16 =	sld [smem:$0x10];
	[sflag:s4] =	ssyncset.done $0x0  }
0x95: {  	s17 =	sld [smem:$0x11];
	[sflag:s4] =	ssyncadd.s32 $0xFFFFFFFF  }
0x96: {  	s18 =	sld [smem:$0x12];
	(tm) =	ssettm $0x1  }
0x97: {  	s6 =	sld [smem:$0x3FFB];
	_ =	sdelay $0x3  }
0x98: {  	_ =	strace s6  }
0x99: {  	s6 =	sld [smem:$0x3FFC];
	_ =	sdelay $0x3  }
0x9a: {  	_ =	strace s6  }
0x9b: {  	s6 =	sld [smem:$0x3FFD];
	_ =	sdelay $0x3  }
0x9c: {  	_ =	strace s6  }
0x9d: {  	_ =	strace $0x8FFFFFFF  }
0x9e: {  	s19 =	sld [smem:$0x3FDB];
	_ =	sdelay $0x1  }
0x9f: {  	s7 =	simm.s32 $_scs_section_size  }
0xa0: {  	s8 =	simm.s32 $_size__tile_overlayer_lowered;
	s9 =	simm.s32 $_tile_overlayer_lowered  }
0xa1: {  	s22 =	simm.s32 $0x1BFF;
	s21 =	sshll.u32 s9, $0x1;
	s6 =	sadd.s32 s7, s19  }
0xa2: {  	s10 =	simm.s32 $0x0;
	s20 =	sshll.u32 s8, $0x1;
	s8 =	sadd.s32 s21, s6  }
0xa3: {  	[timem:s10], [sflag:s22] =	dma.local [hbm:s8], s20  }
0xa4: {  	_ =	swait.ge [sflag:s22], s20  }
0xa5: {  	s7 =	ssub.s32 $0x0, s20;
	[sflag:s22] =	ssyncset.done $0x0  }
0xa6: {  	[sflag:s22] =	ssyncadd.s32 s7;
	_ =	sdelay $0x1  }
0xa7: {  	s23 =	simm.s32 $0x1B8B  }
0xa8: {  	_ =	swait.ge [sflag:s23], $0x1  }
0xa9: {  	[sflag:s23] =	ssyncset.done $0x0  }
0xaa: {  	s25 =	simm.s32 $0x1B8E;
	s24 =	sld [smem:$0x3FFE];
	[sflag:s23] =	ssyncadd.s32 $0xFFFFFFFF  }
0xab: {  	s26 =	simm.s32 $execute0_lowered;
	[smem:$0x3FD2] =	sst s25  }
0xac: {  	s8 =	sshll.u32 s26, $0x1;
	_ =	strace $0x80000046;
	[dreg:$0x1] =	wrdreg $0xFFFFFFFF  }
0xad: {  	s28 =	simm.s32 $_size_execute0_lowered;
	s6 =	sadd.s32 s6, s8;
	[dreg:$0x0] =	wrdreg $0x0  }
0xae: {  	s8 =	sshll.u32 s28, $0x1;
	[dreg:$0x2] =	wrdreg s6  }
0xaf: {  	[dreg:$0x3] =	wrdreg s8  }
0xb0: {  	[dreg:$0x4] =	wrdreg $0xC0  }
0xb1: {  	_ =	task [dreg:s10], $0x5FFFF  }
0xb2: {  	[dreg:$0x1] =	wrdreg $0xFFFFFFFF  }
0xb3: {  	[dreg:$0x0] =	wrdreg $0x60  }
0xb4: {  	[dreg:$0x2] =	wrdreg s15  }
0xb5: {  	[dreg:$0x3] =	wrdreg s16  }
0xb6: {  	[dreg:$0x4] =	wrdreg s17  }
0xb7: {  	[dreg:$0x5] =	wrdreg s24  }
0xb8: {  	[dreg:$0x6] =	wrdreg s18  }
0xb9: {  	[dreg:$0x7] =	wrdreg $0x9  }
0xba: {  	_ =	task.clear_ibuf [dreg:s10], $0x8FFFF;
	_ =	strace $0x90000046  }
0xbb: {  	s29 =	simm.s32 $0x9;
	_ =	strace $0x80000048  }
0xbc: {  	_ =	swait.ge [sflag:s29], $0x1  }
0xbd: {  	[sflag:s29] =	ssyncadd.s32 $0xFFFFFFFF  }
0xbe: {  	_ =	strace $0x90000048  }
0xbf: {  	_ =	sfence  }
0xc0: {  	s30 =	sld [smem:$0x0];
	_ =	sdelay $0x2  }
0xc1: {  	s31 =	sshll.u32 s1, $0xD;
	s1 =	sshrl.u32 s1, $0x2  }
0xc2: {  	s3 =	sand.u32 $0x4000, s31;
	s1 =	sadd.s32 s1, s30  }
0xc3: {  	s0 =	sor.u32 s3, s0;
	s1 =	sshll.u32 s1, $0x11  }
0xc4: {  	s0 =	sor.u32 s1, s0  }
0xc5: {  	s0 =	sadd.s32 $0x8F2B, s0  }
0xc6: {  	[sflag:s0] =	ssyncadd.remote.s32 $0x1  }
0xc7: {  	_ =	sfence.sel $0xFFFF  }
0xc8: {  	[dreg:$0x0] =	wrdreg $0xFFFFFFFF;
	(pc) =	sbr.abs _section_cstart, $3  }
0xc9: {  	[dreg:$0x1] =	wrdreg $0xFFFFFFFF  }
0xca: {  	_ =	task.clear_ibuf [dreg:s10], $0x2FFFF;
	_ =	strace $0x9FFFFFFF  }
0xcb: {  	(tm) =	ssettm $0x7FFFFFFF  }
tec
execute0_lowered:
.L_overlay_start_1:
0x0: {  	(tag) =	ssettag $0x1  }
0x1: {  	s0 =	rddreg [dreg:$0x0]  }
0x2: {  	s6 =	rddreg [dreg:$0x1]  }
0x3: {  	s7 =	rddreg [dreg:$0x2]  }
0x4: {  	s5 =	rddreg [dreg:$0x3]  }
0x5: {  	s1 =	srdreg.scid;
	s8 =	rddreg [dreg:$0x4]  }
0x6: {  	s2 =	stileid.u32;
	s3 =	simm.s32 $0x0;
	s4 =	sand.u32 $0x1, s1  }
0x7: {  	s13 =	simm.s32 $0x8180;
	s1 =	rddreg [dreg:$0x5];
	s9 =	sshll.u32 s4, $0x4  }
0x8: {  	s14 =	simm.s32 $0x0;
	[smem:$0x7FF] =	sst s3;
	s9 =	sor.u32 s2, s9  }
0x9: {  	s10 =	ssub.s32 $0x2, s4;
	_ =	strace $0x80000047;
	s11 =	smul.u32 $0x4E0, s9  }
0xa: {  	s4 =	sadd.s32 $0x1000, s5;
	s12 =	sshrl.u32 s10, $0x1;
	s9 =	smul.u32 $0x2700, s9  }
0xb: {  	s5 =	sadd.s32 $0xE00, s5;
	s10 =	ssub.s32 s10, s12;
	s12 =	simm.s32 $0x2B80  }
0xc: {  	s6 =	sadd.s32 s6, s11;
	s7 =	sadd.s32 s7, s11;
	s8 =	sadd.s32 s8, s9  }
0xd: {  	s9 =	smax.u32 s10, $0x1;
	s10 =	simm.s32 $0x1;
	s11 =	simm.s32 $0x2780  }
.LBB2_1:
0xe: {  	[tilespmem:s3], [sflag:$0x1] =	stream.linear.gather [hbm4b:s0+s3], $0x2780, $0x38;
	[tilespmem:$0x1C980] =	vst v63  }
0xf: {  	_ =	swait.ge [sflag:s10], $0x2780  }
0x10: {  	[sflag:s10] =	ssyncset.done $0x0  }
0x11: {  	[sflag:s10] =	ssyncadd.s32 $0xFFFFD880  }
0x12: {  	[tilespmem:s11], [sflag:$0x1] =	stream.linear.gather [hbm4b:s4+s3], $0x400, $0x38;
	[tilespmem:$0x1C980] =	vst v63  }
0x13: {  	_ =	swait.ge [sflag:s10], $0x400  }
0x14: {  	[sflag:s10] =	ssyncset.done $0x0  }
0x15: {  	[sflag:s10] =	ssyncadd.s32 $0xFFFFFC00  }
0x16: {  	[tilespmem:s12], [sflag:$0x1] =	stream.linear.gather [hbm4b:s5+s3], $0x400, $0x38;
	[tilespmem:$0x1C980] =	vst v63  }
0x17: {  	_ =	swait.ge [sflag:s10], $0x400  }
0x18: {  	[sflag:s10] =	ssyncset.done $0x0  }
0x19: {  	s15 =	simm.s32 $0x2F80;
	[sflag:s10] =	ssyncadd.s32 $0xFFFFFC00  }
0x1a: {  	[tilespmem:s15], [sflag:$0x1] =	stream.linear.gather [hbm4b:s6+s3], $0x2900, $0x38;
	[tilespmem:$0x1C980] =	vst v63  }
0x1b: {  	_ =	swait.ge [sflag:s10], $0x2900  }
0x1c: {  	[sflag:s10] =	ssyncset.done $0x0  }
0x1d: {  	s16 =	simm.s32 $0x5880;
	[sflag:s10] =	ssyncadd.s32 $0xFFFFD700  }
0x1e: {  	[tilespmem:s16], [sflag:$0x1] =	stream.linear.gather [hbm4b:s7+s3], $0x2900, $0x38;
	[tilespmem:$0x1C980] =	vst v63  }
0x1f: {  	_ =	swait.ge [sflag:s10], $0x2900  }
0x20: {  	s17 =	simm.s32 $0x0;
	[sflag:s10] =	ssyncset.done $0x0  }
0x21: {  	s18 =	simm.s32 $0x0;
	s19 =	simm.s32 $0x0;
	[sflag:s10] =	ssyncadd.s32 $0xFFFFD700  }
.LBB2_2:
0x22: {  	v0 =	vld [tilespmem:s15+$0x0]  }
0x23: {  	v1 =	vld [tilespmem:s16+$0x0];
	_ =	sdelay $0x6  }
0x24: {  	v0 =	vld.idx.msk [tilespmem:v0+s3+$0x0], $0xffff  }
0x25: {  	v1 =	vld.idx.msk [tilespmem:v1+s3+$0x0], $0xffff;
	_ =	sdelay $0x3  }
0x26: {  	v0 =	vshll.u32 v0, $0x3  }
0x27: {  	v1 =	vshll.u32 v1, $0x3;
	_ =	sdelay $0x3  }
0x28: {  	v2 =	vld.idx.msk [tilespmem:v0+s11+$0x0], $0xffff  }
0x29: {  	v3 =	vld.idx.msk [tilespmem:v1+s12+$0x0], $0xffff;
	_ =	sdelay $0x2  }
0x2a: {  	v4 =	vor.u32 $0x1, v0  }
0x2b: {  	v5 =	vor.u32 $0x1, v1  }
0x2c: {  	s20 =	sand.u32 $0x70, s19;
	s21 =	sand.u32 $0x1FC00, s18;
	v2 =	vadd.f32 v3, v2  }
0x2d: {  	s20 =	sor.u32 s20, s21  }
0x2e: {  	[tilespmem:s20+$0x8180] =	vst v2  }
0x2f: {  	v2 =	vld.idx.msk [tilespmem:v4+s11+$0x0], $0xffff  }
0x30: {  	v48 =	vld.idx.msk [tilespmem:v5+s12+$0x0], $0xffff;
	_ =	sdelay $0x2  }
0x31: {  	v49 =	vor.u32 $0x2, v0  }
0x32: {  	v50 =	vor.u32 $0x2, v1  }
0x33: {  	v2 =	vadd.f32 v48, v2;
	_ =	sdelay $0x1  }
0x34: {  	[tilespmem:s20+$0x8200] =	vst v2  }
0x35: {  	v2 =	vld.idx.msk [tilespmem:v49+s11+$0x0], $0xffff  }
0x36: {  	v51 =	vld.idx.msk [tilespmem:v50+s12+$0x0], $0xffff;
	_ =	sdelay $0x2  }
0x37: {  	v52 =	vor.u32 $0x3, v0  }
0x38: {  	v53 =	vor.u32 $0x3, v1  }
0x39: {  	v2 =	vadd.f32 v51, v2;
	_ =	sdelay $0x1  }
0x3a: {  	[tilespmem:s20+$0x8280] =	vst v2  }
0x3b: {  	v2 =	vld.idx.msk [tilespmem:v52+s11+$0x0], $0xffff  }
0x3c: {  	v54 =	vld.idx.msk [tilespmem:v53+s12+$0x0], $0xffff;
	_ =	sdelay $0x2  }
0x3d: {  	v55 =	vor.u32 $0x4, v0  }
0x3e: {  	v56 =	vor.u32 $0x4, v1  }
0x3f: {  	v2 =	vadd.f32 v54, v2;
	_ =	sdelay $0x1  }
0x40: {  	[tilespmem:s20+$0x8300] =	vst v2  }
0x41: {  	v2 =	vld.idx.msk [tilespmem:v55+s11+$0x0], $0xffff  }
0x42: {  	v57 =	vld.idx.msk [tilespmem:v56+s12+$0x0], $0xffff;
	_ =	sdelay $0x2  }
0x43: {  	v58 =	vor.u32 $0x5, v0  }
0x44: {  	v59 =	vor.u32 $0x5, v1  }
0x45: {  	v2 =	vadd.f32 v57, v2;
	_ =	sdelay $0x1  }
0x46: {  	[tilespmem:s20+$0x8380] =	vst v2  }
0x47: {  	v2 =	vld.idx.msk [tilespmem:v58+s11+$0x0], $0xffff  }
0x48: {  	v60 =	vld.idx.msk [tilespmem:v59+s12+$0x0], $0xffff;
	_ =	sdelay $0x2  }
0x49: {  	v61 =	vor.u32 $0x6, v0  }
0x4a: {  	v62 =	vor.u32 $0x6, v1  }
0x4b: {  	v2 =	vadd.f32 v60, v2;
	_ =	sdelay $0x1  }
0x4c: {  	[tilespmem:s20+$0x8400] =	vst v2  }
0x4d: {  	v2 =	vld.idx.msk [tilespmem:v61+s11+$0x0], $0xffff  }
0x4e: {  	v63 =	vld.idx.msk [tilespmem:v62+s12+$0x0], $0xffff;
	_ =	sdelay $0x2  }
0x4f: {  	v0 =	vor.u32 $0x7, v0  }
0x50: {  	v1 =	vor.u32 $0x7, v1  }
0x51: {  	v2 =	vadd.f32 v63, v2;
	_ =	sdelay $0x1  }
0x52: {  	[tilespmem:s20+$0x8480] =	vst v2  }
0x53: {  	v0 =	vld.idx.msk [tilespmem:v0+s11+$0x0], $0xffff  }
0x54: {  	v1 =	vld.idx.msk [tilespmem:v1+s12+$0x0], $0xffff;
	_ =	sdelay $0x1  }
0x55: {  	p0 =	sne.s32 s19, $0x28F0  }
.Ltmp0:
0x56: {  	s31 =	sand.u32 $0x7, s17;
	(pc) =	sbr.rel @p0 .LBB2_2-.Ltmp0, $4  }
0x57: {  	s20 =	sshll.u32 s31, $0x4  }
0x58: {  	s20 =	sadd.s32 s20, s18;
	v0 =	vadd.f32 v1, v0  }
0x59: {  	s17 =	sadd.s32 $0x1, s17;
	s15 =	sadd.s32 $0x10, s15;
	s20 =	sor.u32 $0x380, s20  }
0x5a: {  	s16 =	sadd.s32 $0x10, s16;
	s19 =	sadd.s32 $0x10, s19;
	s18 =	sadd.s32 $0x80, s18;
	[tilespmem:s20+$0x8180] =	vst v0  }
0x5b: {  	s14 =	sadd.s32 $0x1, s14  }
0x5c: {  	p0 =	sne.s32 s14, s9  }
.Ltmp1:
0x5d: {  	_ = 	snop;
	(pc) =	sbr.rel @p0 .LBB2_1-.Ltmp1, $4  }
0x5e: {  	[hbm4b:s8+s3] =	stream.linear.scatter [tilespmem:s13], [sflag:$0x1], $0x14800, $0x38;
	[tilespmem:$0x1C980] =	vst v63  }
0x5f: {  	_ =	swait.ge [sflag:s10], $0x14800  }
0x60: {  	[sflag:s10] =	ssyncset.done $0x0  }
0x61: {  	[sflag:s10] =	ssyncadd.s32 $0xFFFEB800  }
0x62: {  	_ =	sfence.sel $0x180000  }
0x63: {  	[bflag:$0x0] =	sbarrier.arrive $0xFFFF  }
0x64: {  	p0 =	sne.s32 s2, $0x0;
	_ =	strace $0x90000047  }
0x65: {  	s0 =	sadd.s32 @!p0 $0x100000, s1;
	[bflag:$0x2] =	sbarrier.arrive $0xFFFF  }
0x66: {  	[sflag:s0] =	ssyncadd.tile.s32 @!p0 $0x1;
	_ =	shalt  }
.Lfunc_end2:
_tile_overlayer_lowered:
.L_overlay_start_2:
0x67: {  	(tag) =	ssettag $0x2  }
0x68: {  	s0 =	rddreg [dreg:$0x0];
	s2 =	stileid.u32  }
0x69: {  	s1 =	rddreg [dreg:$0x1];
	p0 =	sne.s32 s2, $0x0  }
0x6a: {  	s3 =	rddreg [dreg:$0x2];
	[bflag:$0x3] =	sbarrier.arrive $0xFFFF;
	s2 =	simm.s32 @!p0 $0x1C01  }
0x6b: {  	[timem:s3], [sflag:s2] =	dma.local @!p0 [hbm:s0], s1  }
0x6c: {  	s0 =	simm.s32 @!p0 $0x1  }
0x6d: {  	_ =	swait.ge @!p0 [sflag:s0], s1  }
0x6e: {  	s1 =	ssub.s32 @!p0 $0x0, s1;
	[sflag:s0] =	ssyncset.done @!p0 $0x0  }
0x6f: {  	[sflag:s0] =	ssyncadd.s32 @!p0 s1  }
0x70: {  	[bflag:$0x3] =	sbarrier.arrive $0xFFFF  }
0x71: {  	_ =	shalt  }

</sc_bundles>
